<compile_context>
chip_gen: v7x
topology: tpu7x:2x2x1
jax: 0.10.2.dev20260603
libtpu: 0.0.44.dev20260713+nightly
codegen_flags: <defaults>
</compile_context>

<pallas_src>
import jax
import jax.numpy as jnp
from jax import lax
from jax.experimental import pallas as pl
from jax.experimental.pallas import tpu as pltpu
from jax.experimental.pallas import tpu_sc as plsc

_N = 10000
_D = 128

_info = plsc.get_sparse_core_info()
_NC, _NS = _info.num_cores, _info.num_subcores
_NW = _NC * _NS
_B_PER_W = -(-_N // (8 * _NW)) * 8
_CHUNK = 80
_NCHUNK = _B_PER_W // _CHUNK
_LAST_BASE = (_NW - 1) * _B_PER_W
_LAST_ROWS = _N - _LAST_BASE


def _gather_kernel(table_hbm, idx_hbm, out_hbm, idx_v, rows_v, gsems, ssem):
    wid = lax.axis_index("s") * _NC + lax.axis_index("c")
    base = wid * _B_PER_W

    @pl.when(wid < _NW - 1)
    def _full():
        pltpu.sync_copy(idx_hbm.at[pl.ds(base, _B_PER_W)], idx_v)
        copies = []
        for c in range(_NCHUNK):
            cp = pltpu.async_copy(
                table_hbm.at[idx_v.at[pl.ds(c * _CHUNK, _CHUNK)]],
                rows_v.at[c], gsems.at[c])
            copies.append(cp)
        for c in range(_NCHUNK):
            copies[c].wait()
            pltpu.async_copy(
                rows_v.at[c],
                out_hbm.at[pl.ds(base + c * _CHUNK, _CHUNK)], ssem)
        for c in range(_NCHUNK):
            pltpu.make_async_copy(
                rows_v.at[c],
                out_hbm.at[pl.ds(base + c * _CHUNK, _CHUNK)], ssem).wait()

    @pl.when(wid == _NW - 1)
    def _tail():
        pltpu.sync_copy(idx_hbm.at[pl.ds(_LAST_BASE, _LAST_ROWS)],
                        idx_v.at[pl.ds(0, _LAST_ROWS)])
        pltpu.async_copy(
            table_hbm.at[idx_v.at[pl.ds(0, _LAST_ROWS)]],
            rows_v.at[0], gsems.at[0]).wait()
        pltpu.sync_copy(rows_v.at[0],
                        out_hbm.at[pl.ds(_LAST_BASE, _LAST_ROWS)])


_mesh = plsc.VectorSubcoreMesh(core_axis_name="c", subcore_axis_name="s")

_gather = pl.kernel(
    _gather_kernel,
    mesh=_mesh,
    out_type=jax.ShapeDtypeStruct((_N, _D), jnp.float32),
    scratch_types=[
        pltpu.VMEM((_B_PER_W,), jnp.int32),
        pltpu.VMEM((_NCHUNK, _CHUNK, _D), jnp.float32),
        pltpu.SemaphoreType.DMA((_NCHUNK,)),
        pltpu.SemaphoreType.DMA,
    ],
)


def kernel(pos, z, neighbours, embedding_table):
    del pos, neighbours
    return _gather(embedding_table, z.astype(jnp.int32))

# --- scband reference (transcript-rebuilt; emitter-appended) ---
"""Pipeline reference for scband-pai-nn-59167469470367 (READ-ONLY COPY).

The authoritative reference and input builder live on the scoring server;
editing this copy changes nothing except your own understanding.
"""

import jax, jax.numpy as jnp
import numpy as np

N = 10000
NUM_ATOMS = 100000
NUM_EMBEDDINGS = 128
CUTOFF_DIST = 5.0


def setup_inputs(seed: int = 0) -> dict:
    key = jax.random.key(seed)
    k1, k2, k3, k4 = jax.random.split(key, 4)
    pos = jax.random.normal(k1, (N, 3), dtype=jnp.float32) * 10.0
    z = jax.random.randint(k2, (N,), 0, NUM_ATOMS, dtype=jnp.int64) if jax.config.jax_enable_x64 else jax.random.randint(k2, (N,), 0, NUM_ATOMS).astype(jnp.int32)
    neighbours = jax.random.randint(k3, (N, N), 0, 2, dtype=jnp.int32)
    embedding_table = jax.random.normal(k4, (NUM_ATOMS, NUM_EMBEDDINGS), dtype=jnp.float32) * 0.02
    return {"pos": pos, "z": z, "neighbours": neighbours, "embedding_table": embedding_table}


def reference(pos, z, neighbours, embedding_table):
    # Faithful translation of PaiNN.forward as written:
    #   embeddings = self.embeddings(z)                      -> gather rows from table
    #   equivariant_repr = zeros((len(z), num_embeddings, 3))
    #   loop over nodes: neighbours_idx = nonzero(neighbours[i]); rel_pos = pos[i] - pos
    #     (loop results are never stored; dead code -> only final rel_pos state matters)
    #   original forward returns None; we return the embeddings tensor (the only
    #   data-dependent computation) so the harness has an output to check.
    embeddings = jnp.take(embedding_table, z, axis=0)
    equivariant_repr = jnp.zeros((z.shape[0], NUM_EMBEDDINGS, 3), dtype=jnp.float32)
    # dead-code loop final state (unused, kept for fidelity; cheap equivalent)
    rel_pos = pos[-1] - pos
    del equivariant_repr, rel_pos, neighbours
    return embeddings

if __name__ == "__main__":
    import jax
    _d = setup_inputs()
    print(jax.jit(kernel)(*tuple(_d.values())))

</pallas_src>

<mosaic_0001>
#map = affine_map<(d0, d1) -> (0, 0)>
#map1 = affine_map<(d0, d1) -> (0)>
module attributes {stable_mosaic.version = 14 : i64} {
  func.func @_gather_kernel(%arg0: i32, %arg1: i32, %arg2: memref<100000x128xf32, #tpu.memory_space<hbm>>, %arg3: memref<10000xi32, #tpu.memory_space<hbm>>, %arg4: memref<10000x128xf32, #tpu.memory_space<hbm>>, %arg5: memref<320xi32, #tpu.memory_space<vmem>>, %arg6: memref<4x80x128xf32, #tpu.memory_space<vmem>>, %arg7: memref<4x!tpu.dma_semaphore, #tpu.memory_space<semaphore_mem>>, %arg8: memref<!tpu.dma_semaphore, #tpu.memory_space<semaphore_mem>>) attributes {dimension_semantics = [#tpu.dimension_semantics<core_parallel>, #tpu.dimension_semantics<subcore_parallel>], iteration_bounds = array<i64: 2, 16>, scalar_prefetch = 0 : i64, scratch_operands = 4 : i64, tpu.core_type = #tpu.core_type<sc_vector_subcore>, window_params = [{transform_indices = #map}, {transform_indices = #map1}, {transform_indices = #map}]} {
    %mul3A = arith.constant 2 : i32
    %mul3A_0 = arith.muli %arg1, %mul3A : i32
    %add3A = arith.addi %mul3A_0, %arg0 : i32
    %mul3A_1 = arith.constant 320 : i32
    %mul3A_2 = arith.muli %add3A, %mul3A_1 : i32
    %lt3A = arith.constant 31 : i32
    %lt3A_3 = arith.cmpi slt, %add3A, %lt3A : i32
    %convert_element_type3A = arith.extui %lt3A_3 : i1 to i32
    %cond3A = arith.constant 0 : i32
    %cond3A_4 = arith.cmpi ne, %convert_element_type3A, %cond3A : i32
    scf.if %cond3A_4 {
      "tpu.region"() ({
        %run_scoped3A = tpu.sem_alloc : memref<!tpu.dma_semaphore, #tpu.memory_space<semaphore_mem>>
        %dma_start3A_231 = tpu.memref_slice %arg3[%mul3A_2] : memref<10000xi32, #tpu.memory_space<hbm>> -> memref<320xi32, #tpu.memory_space<hbm>>
        %dma_start3A_232 = tpu.memref_slice %arg3[%mul3A_2] : memref<10000xi32, #tpu.memory_space<hbm>> -> memref<320xi32, #tpu.memory_space<hbm>>
        tpu.enqueue_dma source(%dma_start3A_232 : memref<320xi32, #tpu.memory_space<hbm>>) target(%arg5 : memref<320xi32, #tpu.memory_space<vmem>>) target_semaphore(%run_scoped3A : memref<!tpu.dma_semaphore, #tpu.memory_space<semaphore_mem>>)
        %dma_wait3A_233 = tpu.memref_slice %arg3[%mul3A_2] : memref<10000xi32, #tpu.memory_space<hbm>> -> memref<320xi32, #tpu.memory_space<hbm>>
        %dma_wait3A_234 = tpu.memref_slice %arg3[%mul3A_2] : memref<10000xi32, #tpu.memory_space<hbm>> -> memref<320xi32, #tpu.memory_space<hbm>>
        tpu.wait_dma2 semaphore(%run_scoped3A : memref<!tpu.dma_semaphore, #tpu.memory_space<semaphore_mem>>) src(%dma_wait3A_234 : memref<320xi32, #tpu.memory_space<hbm>>) dst(%arg5 : memref<320xi32, #tpu.memory_space<vmem>>)
        tpu.yield
      }) : () -> ()
      %dma_start3A = arith.constant 0 : i32
      %dma_start3A_9 = arith.constant 0 : i32
      %dma_start3A_10 = arith.constant 0 : i32
      %dma_start3A_11 = arith.constant 0 : i32
      %dma_start3A_12 = tpu.memref_slice %arg6[%dma_start3A, %dma_start3A_10, %dma_start3A_11] : memref<4x80x128xf32, #tpu.memory_space<vmem>> -> memref<1x80x128xf32, #tpu.memory_space<vmem>>
      %dma_start3A_13 = tpu.memref_squeeze %dma_start3A_12 : memref<1x80x128xf32, #tpu.memory_space<vmem>> -> memref<80x128xf32, #tpu.memory_space<vmem>>
      %dma_start3A_14 = arith.constant 0 : i32
      %dma_start3A_15 = tpu.memref_slice %arg5[%dma_start3A_14] : memref<320xi32, #tpu.memory_space<vmem>> -> memref<80xi32, #tpu.memory_space<vmem>>
      %dma_start3A_16 = arith.constant 0 : i32
      %dma_start3A_17 = arith.constant 0 : i32
      %dma_start3A_18 = tpu.memref_slice %arg2[%dma_start3A_16, %dma_start3A_17] : memref<100000x128xf32, #tpu.memory_space<hbm>> -> memref<100000x128xf32, #tpu.memory_space<hbm>>
      %dma_start3A_19 = tpu.memref_slice %arg7[%dma_start3A_9] : memref<4x!tpu.dma_semaphore, #tpu.memory_space<semaphore_mem>> -> memref<1x!tpu.dma_semaphore, #tpu.memory_space<semaphore_mem>>
      %dma_start3A_20 = tpu.memref_squeeze %dma_start3A_19 : memref<1x!tpu.dma_semaphore, #tpu.memory_space<semaphore_mem>> -> memref<!tpu.dma_semaphore, #tpu.memory_space<semaphore_mem>>
      tpu.enqueue_indirect_dma source(%dma_start3A_18 : memref<100000x128xf32, #tpu.memory_space<hbm>>) target(%dma_start3A_13 : memref<80x128xf32, #tpu.memory_space<vmem>>) offsets(%dma_start3A_15 : memref<80xi32, #tpu.memory_space<vmem>>) semaphore(%dma_start3A_20 : memref<!tpu.dma_semaphore, #tpu.memory_space<semaphore_mem>>)
      %dma_start3A_21 = arith.constant 1 : i32
      %dma_start3A_22 = arith.constant 1 : i32
      %dma_start3A_23 = arith.constant 0 : i32
      %dma_start3A_24 = arith.constant 0 : i32
      %dma_start3A_25 = tpu.memref_slice %arg6[%dma_start3A_21, %dma_start3A_23, %dma_start3A_24] : memref<4x80x128xf32, #tpu.memory_space<vmem>> -> memref<1x80x128xf32, #tpu.memory_space<vmem>>
      %dma_start3A_26 = tpu.memref_squeeze %dma_start3A_25 : memref<1x80x128xf32, #tpu.memory_space<vmem>> -> memref<80x128xf32, #tpu.memory_space<vmem>>
      %dma_start3A_27 = arith.constant 80 : i32
      %dma_start3A_28 = tpu.memref_slice %arg5[%dma_start3A_27] : memref<320xi32, #tpu.memory_space<vmem>> -> memref<80xi32, #tpu.memory_space<vmem>>
      %dma_start3A_29 = arith.constant 0 : i32
      %dma_start3A_30 = arith.constant 0 : i32
      %dma_start3A_31 = tpu.memref_slice %arg2[%dma_start3A_29, %dma_start3A_30] : memref<100000x128xf32, #tpu.memory_space<hbm>> -> memref<100000x128xf32, #tpu.memory_space<hbm>>
      %dma_start3A_32 = tpu.memref_slice %arg7[%dma_start3A_22] : memref<4x!tpu.dma_semaphore, #tpu.memory_space<semaphore_mem>> -> memref<1x!tpu.dma_semaphore, #tpu.memory_space<semaphore_mem>>
      %dma_start3A_33 = tpu.memref_squeeze %dma_start3A_32 : memref<1x!tpu.dma_semaphore, #tpu.memory_space<semaphore_mem>> -> memref<!tpu.dma_semaphore, #tpu.memory_space<semaphore_mem>>
      tpu.enqueue_indirect_dma source(%dma_start3A_31 : memref<100000x128xf32, #tpu.memory_space<hbm>>) target(%dma_start3A_26 : memref<80x128xf32, #tpu.memory_space<vmem>>) offsets(%dma_start3A_28 : memref<80xi32, #tpu.memory_space<vmem>>) semaphore(%dma_start3A_33 : memref<!tpu.dma_semaphore, #tpu.memory_space<semaphore_mem>>)
      %dma_start3A_34 = arith.constant 2 : i32
      %dma_start3A_35 = arith.constant 2 : i32
      %dma_start3A_36 = arith.constant 0 : i32
      %dma_start3A_37 = arith.constant 0 : i32
      %dma_start3A_38 = tpu.memref_slice %arg6[%dma_start3A_34, %dma_start3A_36, %dma_start3A_37] : memref<4x80x128xf32, #tpu.memory_space<vmem>> -> memref<1x80x128xf32, #tpu.memory_space<vmem>>
      %dma_start3A_39 = tpu.memref_squeeze %dma_start3A_38 : memref<1x80x128xf32, #tpu.memory_space<vmem>> -> memref<80x128xf32, #tpu.memory_space<vmem>>
      %dma_start3A_40 = arith.constant 160 : i32
      %dma_start3A_41 = tpu.memref_slice %arg5[%dma_start3A_40] : memref<320xi32, #tpu.memory_space<vmem>> -> memref<80xi32, #tpu.memory_space<vmem>>
      %dma_start3A_42 = arith.constant 0 : i32
      %dma_start3A_43 = arith.constant 0 : i32
      %dma_start3A_44 = tpu.memref_slice %arg2[%dma_start3A_42, %dma_start3A_43] : memref<100000x128xf32, #tpu.memory_space<hbm>> -> memref<100000x128xf32, #tpu.memory_space<hbm>>
      %dma_start3A_45 = tpu.memref_slice %arg7[%dma_start3A_35] : memref<4x!tpu.dma_semaphore, #tpu.memory_space<semaphore_mem>> -> memref<1x!tpu.dma_semaphore, #tpu.memory_space<semaphore_mem>>
      %dma_start3A_46 = tpu.memref_squeeze %dma_start3A_45 : memref<1x!tpu.dma_semaphore, #tpu.memory_space<semaphore_mem>> -> memref<!tpu.dma_semaphore, #tpu.memory_space<semaphore_mem>>
      tpu.enqueue_indirect_dma source(%dma_start3A_44 : memref<100000x128xf32, #tpu.memory_space<hbm>>) target(%dma_start3A_39 : memref<80x128xf32, #tpu.memory_space<vmem>>) offsets(%dma_start3A_41 : memref<80xi32, #tpu.memory_space<vmem>>) semaphore(%dma_start3A_46 : memref<!tpu.dma_semaphore, #tpu.memory_space<semaphore_mem>>)
      %dma_start3A_47 = arith.constant 3 : i32
      %dma_start3A_48 = arith.constant 3 : i32
      %dma_start3A_49 = arith.constant 0 : i32
      %dma_start3A_50 = arith.constant 0 : i32
      %dma_start3A_51 = tpu.memref_slice %arg6[%dma_start3A_47, %dma_start3A_49, %dma_start3A_50] : memref<4x80x128xf32, #tpu.memory_space<vmem>> -> memref<1x80x128xf32, #tpu.memory_space<vmem>>
      %dma_start3A_52 = tpu.memref_squeeze %dma_start3A_51 : memref<1x80x128xf32, #tpu.memory_space<vmem>> -> memref<80x128xf32, #tpu.memory_space<vmem>>
      %dma_start3A_53 = arith.constant 240 : i32
      %dma_start3A_54 = tpu.memref_slice %arg5[%dma_start3A_53] : memref<320xi32, #tpu.memory_space<vmem>> -> memref<80xi32, #tpu.memory_space<vmem>>
      %dma_start3A_55 = arith.constant 0 : i32
      %dma_start3A_56 = arith.constant 0 : i32
      %dma_start3A_57 = tpu.memref_slice %arg2[%dma_start3A_55, %dma_start3A_56] : memref<100000x128xf32, #tpu.memory_space<hbm>> -> memref<100000x128xf32, #tpu.memory_space<hbm>>
      %dma_start3A_58 = tpu.memref_slice %arg7[%dma_start3A_48] : memref<4x!tpu.dma_semaphore, #tpu.memory_space<semaphore_mem>> -> memref<1x!tpu.dma_semaphore, #tpu.memory_space<semaphore_mem>>
      %dma_start3A_59 = tpu.memref_squeeze %dma_start3A_58 : memref<1x!tpu.dma_semaphore, #tpu.memory_space<semaphore_mem>> -> memref<!tpu.dma_semaphore, #tpu.memory_space<semaphore_mem>>
      tpu.enqueue_indirect_dma source(%dma_start3A_57 : memref<100000x128xf32, #tpu.memory_space<hbm>>) target(%dma_start3A_52 : memref<80x128xf32, #tpu.memory_space<vmem>>) offsets(%dma_start3A_54 : memref<80xi32, #tpu.memory_space<vmem>>) semaphore(%dma_start3A_59 : memref<!tpu.dma_semaphore, #tpu.memory_space<semaphore_mem>>)
      %dma_wait3A = arith.constant 0 : i32
      %dma_wait3A_60 = arith.constant 0 : i32
      %dma_wait3A_61 = arith.constant 0 : i32
      %dma_wait3A_62 = arith.constant 0 : i32
      %dma_wait3A_63 = tpu.memref_slice %arg6[%dma_wait3A, %dma_wait3A_61, %dma_wait3A_62] : memref<4x80x128xf32, #tpu.memory_space<vmem>> -> memref<1x80x128xf32, #tpu.memory_space<vmem>>
      %dma_wait3A_64 = tpu.memref_squeeze %dma_wait3A_63 : memref<1x80x128xf32, #tpu.memory_space<vmem>> -> memref<80x128xf32, #tpu.memory_space<vmem>>
      %dma_wait3A_65 = arith.constant 0 : i32
      %dma_wait3A_66 = tpu.memref_slice %arg5[%dma_wait3A_65] : memref<320xi32, #tpu.memory_space<vmem>> -> memref<80xi32, #tpu.memory_space<vmem>>
      %dma_wait3A_67 = arith.constant 0 : i32
      %dma_wait3A_68 = arith.constant 0 : i32
      %dma_wait3A_69 = tpu.memref_slice %arg2[%dma_wait3A_67, %dma_wait3A_68] : memref<100000x128xf32, #tpu.memory_space<hbm>> -> memref<100000x128xf32, #tpu.memory_space<hbm>>
      %dma_wait3A_70 = tpu.memref_slice %arg7[%dma_wait3A_60] : memref<4x!tpu.dma_semaphore, #tpu.memory_space<semaphore_mem>> -> memref<1x!tpu.dma_semaphore, #tpu.memory_space<semaphore_mem>>
      %dma_wait3A_71 = tpu.memref_squeeze %dma_wait3A_70 : memref<1x!tpu.dma_semaphore, #tpu.memory_space<semaphore_mem>> -> memref<!tpu.dma_semaphore, #tpu.memory_space<semaphore_mem>>
      tpu.wait_indirect_dma semaphore(%dma_wait3A_71 : memref<!tpu.dma_semaphore, #tpu.memory_space<semaphore_mem>>) src(%dma_wait3A_69 : memref<100000x128xf32, #tpu.memory_space<hbm>>) dst(%dma_wait3A_64 : memref<80x128xf32, #tpu.memory_space<vmem>>)
      %add3A_72 = arith.constant 0 : i32
      %add3A_73 = arith.addi %mul3A_2, %add3A_72 : i32
      %dma_start3A_74 = arith.constant 0 : i32
      %dma_start3A_75 = arith.constant 0 : i32
      %dma_start3A_76 = arith.constant 0 : i32
      %dma_start3A_77 = tpu.memref_slice %arg6[%dma_start3A_74, %dma_start3A_75, %dma_start3A_76] : memref<4x80x128xf32, #tpu.memory_space<vmem>> -> memref<1x80x128xf32, #tpu.memory_space<vmem>>
      %dma_start3A_78 = tpu.memref_squeeze %dma_start3A_77 : memref<1x80x128xf32, #tpu.memory_space<vmem>> -> memref<80x128xf32, #tpu.memory_space<vmem>>
      %dma_start3A_79 = arith.constant 0 : i32
      %dma_start3A_80 = tpu.memref_slice %arg4[%add3A_73, %dma_start3A_79] : memref<10000x128xf32, #tpu.memory_space<hbm>> -> memref<80x128xf32, #tpu.memory_space<hbm>>
      %dma_start3A_81 = arith.constant 0 : i32
      %dma_start3A_82 = tpu.memref_slice %arg4[%add3A_73, %dma_start3A_81] : memref<10000x128xf32, #tpu.memory_space<hbm>> -> memref<80x128xf32, #tpu.memory_space<hbm>>
      %dma_start3A_83 = arith.constant 0 : i32
      %dma_start3A_84 = arith.constant 0 : i32
      %dma_start3A_85 = tpu.memref_slice %arg6[%dma_start3A_74, %dma_start3A_83, %dma_start3A_84] : memref<4x80x128xf32, #tpu.memory_space<vmem>> -> memref<1x80x128xf32, #tpu.memory_space<vmem>>
      %dma_start3A_86 = tpu.memref_squeeze %dma_start3A_85 : memref<1x80x128xf32, #tpu.memory_space<vmem>> -> memref<80x128xf32, #tpu.memory_space<vmem>>
      tpu.enqueue_dma source(%dma_start3A_86 : memref<80x128xf32, #tpu.memory_space<vmem>>) target(%dma_start3A_82 : memref<80x128xf32, #tpu.memory_space<hbm>>) target_semaphore(%arg8 : memref<!tpu.dma_semaphore, #tpu.memory_space<semaphore_mem>>)
      %dma_wait3A_87 = arith.constant 1 : i32
      %dma_wait3A_88 = arith.constant 1 : i32
      %dma_wait3A_89 = arith.constant 0 : i32
      %dma_wait3A_90 = arith.constant 0 : i32
      %dma_wait3A_91 = tpu.memref_slice %arg6[%dma_wait3A_87, %dma_wait3A_89, %dma_wait3A_90] : memref<4x80x128xf32, #tpu.memory_space<vmem>> -> memref<1x80x128xf32, #tpu.memory_space<vmem>>
      %dma_wait3A_92 = tpu.memref_squeeze %dma_wait3A_91 : memref<1x80x128xf32, #tpu.memory_space<vmem>> -> memref<80x128xf32, #tpu.memory_space<vmem>>
      %dma_wait3A_93 = arith.constant 80 : i32
      %dma_wait3A_94 = tpu.memref_slice %arg5[%dma_wait3A_93] : memref<320xi32, #tpu.memory_space<vmem>> -> memref<80xi32, #tpu.memory_space<vmem>>
      %dma_wait3A_95 = arith.constant 0 : i32
      %dma_wait3A_96 = arith.constant 0 : i32
      %dma_wait3A_97 = tpu.memref_slice %arg2[%dma_wait3A_95, %dma_wait3A_96] : memref<100000x128xf32, #tpu.memory_space<hbm>> -> memref<100000x128xf32, #tpu.memory_space<hbm>>
      %dma_wait3A_98 = tpu.memref_slice %arg7[%dma_wait3A_88] : memref<4x!tpu.dma_semaphore, #tpu.memory_space<semaphore_mem>> -> memref<1x!tpu.dma_semaphore, #tpu.memory_space<semaphore_mem>>
      %dma_wait3A_99 = tpu.memref_squeeze %dma_wait3A_98 : memref<1x!tpu.dma_semaphore, #tpu.memory_space<semaphore_mem>> -> memref<!tpu.dma_semaphore, #tpu.memory_space<semaphore_mem>>
      tpu.wait_indirect_dma semaphore(%dma_wait3A_99 : memref<!tpu.dma_semaphore, #tpu.memory_space<semaphore_mem>>) src(%dma_wait3A_97 : memref<100000x128xf32, #tpu.memory_space<hbm>>) dst(%dma_wait3A_92 : memref<80x128xf32, #tpu.memory_space<vmem>>)
      %add3A_100 = arith.constant 80 : i32
      %add3A_101 = arith.addi %mul3A_2, %add3A_100 : i32
      %dma_start3A_102 = arith.constant 1 : i32
      %dma_start3A_103 = arith.constant 0 : i32
      %dma_start3A_104 = arith.constant 0 : i32
      %dma_start3A_105 = tpu.memref_slice %arg6[%dma_start3A_102, %dma_start3A_103, %dma_start3A_104] : memref<4x80x128xf32, #tpu.memory_space<vmem>> -> memref<1x80x128xf32, #tpu.memory_space<vmem>>
      %dma_start3A_106 = tpu.memref_squeeze %dma_start3A_105 : memref<1x80x128xf32, #tpu.memory_space<vmem>> -> memref<80x128xf32, #tpu.memory_space<vmem>>
      %dma_start3A_107 = arith.constant 0 : i32
      %dma_start3A_108 = tpu.memref_slice %arg4[%add3A_101, %dma_start3A_107] : memref<10000x128xf32, #tpu.memory_space<hbm>> -> memref<80x128xf32, #tpu.memory_space<hbm>>
      %dma_start3A_109 = arith.constant 0 : i32
      %dma_start3A_110 = tpu.memref_slice %arg4[%add3A_101, %dma_start3A_109] : memref<10000x128xf32, #tpu.memory_space<hbm>> -> memref<80x128xf32, #tpu.memory_space<hbm>>
      %dma_start3A_111 = arith.constant 0 : i32
      %dma_start3A_112 = arith.constant 0 : i32
      %dma_start3A_113 = tpu.memref_slice %arg6[%dma_start3A_102, %dma_start3A_111, %dma_start3A_112] : memref<4x80x128xf32, #tpu.memory_space<vmem>> -> memref<1x80x128xf32, #tpu.memory_space<vmem>>
      %dma_start3A_114 = tpu.memref_squeeze %dma_start3A_113 : memref<1x80x128xf32, #tpu.memory_space<vmem>> -> memref<80x128xf32, #tpu.memory_space<vmem>>
      tpu.enqueue_dma source(%dma_start3A_114 : memref<80x128xf32, #tpu.memory_space<vmem>>) target(%dma_start3A_110 : memref<80x128xf32, #tpu.memory_space<hbm>>) target_semaphore(%arg8 : memref<!tpu.dma_semaphore, #tpu.memory_space<semaphore_mem>>)
      %dma_wait3A_115 = arith.constant 2 : i32
      %dma_wait3A_116 = arith.constant 2 : i32
      %dma_wait3A_117 = arith.constant 0 : i32
      %dma_wait3A_118 = arith.constant 0 : i32
      %dma_wait3A_119 = tpu.memref_slice %arg6[%dma_wait3A_115, %dma_wait3A_117, %dma_wait3A_118] : memref<4x80x128xf32, #tpu.memory_space<vmem>> -> memref<1x80x128xf32, #tpu.memory_space<vmem>>
      %dma_wait3A_120 = tpu.memref_squeeze %dma_wait3A_119 : memref<1x80x128xf32, #tpu.memory_space<vmem>> -> memref<80x128xf32, #tpu.memory_space<vmem>>
      %dma_wait3A_121 = arith.constant 160 : i32
      %dma_wait3A_122 = tpu.memref_slice %arg5[%dma_wait3A_121] : memref<320xi32, #tpu.memory_space<vmem>> -> memref<80xi32, #tpu.memory_space<vmem>>
      %dma_wait3A_123 = arith.constant 0 : i32
      %dma_wait3A_124 = arith.constant 0 : i32
      %dma_wait3A_125 = tpu.memref_slice %arg2[%dma_wait3A_123, %dma_wait3A_124] : memref<100000x128xf32, #tpu.memory_space<hbm>> -> memref<100000x128xf32, #tpu.memory_space<hbm>>
      %dma_wait3A_126 = tpu.memref_slice %arg7[%dma_wait3A_116] : memref<4x!tpu.dma_semaphore, #tpu.memory_space<semaphore_mem>> -> memref<1x!tpu.dma_semaphore, #tpu.memory_space<semaphore_mem>>
      %dma_wait3A_127 = tpu.memref_squeeze %dma_wait3A_126 : memref<1x!tpu.dma_semaphore, #tpu.memory_space<semaphore_mem>> -> memref<!tpu.dma_semaphore, #tpu.memory_space<semaphore_mem>>
      tpu.wait_indirect_dma semaphore(%dma_wait3A_127 : memref<!tpu.dma_semaphore, #tpu.memory_space<semaphore_mem>>) src(%dma_wait3A_125 : memref<100000x128xf32, #tpu.memory_space<hbm>>) dst(%dma_wait3A_120 : memref<80x128xf32, #tpu.memory_space<vmem>>)
      %add3A_128 = arith.constant 160 : i32
      %add3A_129 = arith.addi %mul3A_2, %add3A_128 : i32
      %dma_start3A_130 = arith.constant 2 : i32
      %dma_start3A_131 = arith.constant 0 : i32
      %dma_start3A_132 = arith.constant 0 : i32
      %dma_start3A_133 = tpu.memref_slice %arg6[%dma_start3A_130, %dma_start3A_131, %dma_start3A_132] : memref<4x80x128xf32, #tpu.memory_space<vmem>> -> memref<1x80x128xf32, #tpu.memory_space<vmem>>
      %dma_start3A_134 = tpu.memref_squeeze %dma_start3A_133 : memref<1x80x128xf32, #tpu.memory_space<vmem>> -> memref<80x128xf32, #tpu.memory_space<vmem>>
      %dma_start3A_135 = arith.constant 0 : i32
      %dma_start3A_136 = tpu.memref_slice %arg4[%add3A_129, %dma_start3A_135] : memref<10000x128xf32, #tpu.memory_space<hbm>> -> memref<80x128xf32, #tpu.memory_space<hbm>>
      %dma_start3A_137 = arith.constant 0 : i32
      %dma_start3A_138 = tpu.memref_slice %arg4[%add3A_129, %dma_start3A_137] : memref<10000x128xf32, #tpu.memory_space<hbm>> -> memref<80x128xf32, #tpu.memory_space<hbm>>
      %dma_start3A_139 = arith.constant 0 : i32
      %dma_start3A_140 = arith.constant 0 : i32
      %dma_start3A_141 = tpu.memref_slice %arg6[%dma_start3A_130, %dma_start3A_139, %dma_start3A_140] : memref<4x80x128xf32, #tpu.memory_space<vmem>> -> memref<1x80x128xf32, #tpu.memory_space<vmem>>
      %dma_start3A_142 = tpu.memref_squeeze %dma_start3A_141 : memref<1x80x128xf32, #tpu.memory_space<vmem>> -> memref<80x128xf32, #tpu.memory_space<vmem>>
      tpu.enqueue_dma source(%dma_start3A_142 : memref<80x128xf32, #tpu.memory_space<vmem>>) target(%dma_start3A_138 : memref<80x128xf32, #tpu.memory_space<hbm>>) target_semaphore(%arg8 : memref<!tpu.dma_semaphore, #tpu.memory_space<semaphore_mem>>)
      %dma_wait3A_143 = arith.constant 3 : i32
      %dma_wait3A_144 = arith.constant 3 : i32
      %dma_wait3A_145 = arith.constant 0 : i32
      %dma_wait3A_146 = arith.constant 0 : i32
      %dma_wait3A_147 = tpu.memref_slice %arg6[%dma_wait3A_143, %dma_wait3A_145, %dma_wait3A_146] : memref<4x80x128xf32, #tpu.memory_space<vmem>> -> memref<1x80x128xf32, #tpu.memory_space<vmem>>
      %dma_wait3A_148 = tpu.memref_squeeze %dma_wait3A_147 : memref<1x80x128xf32, #tpu.memory_space<vmem>> -> memref<80x128xf32, #tpu.memory_space<vmem>>
      %dma_wait3A_149 = arith.constant 240 : i32
      %dma_wait3A_150 = tpu.memref_slice %arg5[%dma_wait3A_149] : memref<320xi32, #tpu.memory_space<vmem>> -> memref<80xi32, #tpu.memory_space<vmem>>
      %dma_wait3A_151 = arith.constant 0 : i32
      %dma_wait3A_152 = arith.constant 0 : i32
      %dma_wait3A_153 = tpu.memref_slice %arg2[%dma_wait3A_151, %dma_wait3A_152] : memref<100000x128xf32, #tpu.memory_space<hbm>> -> memref<100000x128xf32, #tpu.memory_space<hbm>>
      %dma_wait3A_154 = tpu.memref_slice %arg7[%dma_wait3A_144] : memref<4x!tpu.dma_semaphore, #tpu.memory_space<semaphore_mem>> -> memref<1x!tpu.dma_semaphore, #tpu.memory_space<semaphore_mem>>
      %dma_wait3A_155 = tpu.memref_squeeze %dma_wait3A_154 : memref<1x!tpu.dma_semaphore, #tpu.memory_space<semaphore_mem>> -> memref<!tpu.dma_semaphore, #tpu.memory_space<semaphore_mem>>
      tpu.wait_indirect_dma semaphore(%dma_wait3A_155 : memref<!tpu.dma_semaphore, #tpu.memory_space<semaphore_mem>>) src(%dma_wait3A_153 : memref<100000x128xf32, #tpu.memory_space<hbm>>) dst(%dma_wait3A_148 : memref<80x128xf32, #tpu.memory_space<vmem>>)
      %add3A_156 = arith.constant 240 : i32
      %add3A_157 = arith.addi %mul3A_2, %add3A_156 : i32
      %dma_start3A_158 = arith.constant 3 : i32
      %dma_start3A_159 = arith.constant 0 : i32
      %dma_start3A_160 = arith.constant 0 : i32
      %dma_start3A_161 = tpu.memref_slice %arg6[%dma_start3A_158, %dma_start3A_159, %dma_start3A_160] : memref<4x80x128xf32, #tpu.memory_space<vmem>> -> memref<1x80x128xf32, #tpu.memory_space<vmem>>
      %dma_start3A_162 = tpu.memref_squeeze %dma_start3A_161 : memref<1x80x128xf32, #tpu.memory_space<vmem>> -> memref<80x128xf32, #tpu.memory_space<vmem>>
      %dma_start3A_163 = arith.constant 0 : i32
      %dma_start3A_164 = tpu.memref_slice %arg4[%add3A_157, %dma_start3A_163] : memref<10000x128xf32, #tpu.memory_space<hbm>> -> memref<80x128xf32, #tpu.memory_space<hbm>>
      %dma_start3A_165 = arith.constant 0 : i32
      %dma_start3A_166 = tpu.memref_slice %arg4[%add3A_157, %dma_start3A_165] : memref<10000x128xf32, #tpu.memory_space<hbm>> -> memref<80x128xf32, #tpu.memory_space<hbm>>
      %dma_start3A_167 = arith.constant 0 : i32
      %dma_start3A_168 = arith.constant 0 : i32
      %dma_start3A_169 = tpu.memref_slice %arg6[%dma_start3A_158, %dma_start3A_167, %dma_start3A_168] : memref<4x80x128xf32, #tpu.memory_space<vmem>> -> memref<1x80x128xf32, #tpu.memory_space<vmem>>
      %dma_start3A_170 = tpu.memref_squeeze %dma_start3A_169 : memref<1x80x128xf32, #tpu.memory_space<vmem>> -> memref<80x128xf32, #tpu.memory_space<vmem>>
      tpu.enqueue_dma source(%dma_start3A_170 : memref<80x128xf32, #tpu.memory_space<vmem>>) target(%dma_start3A_166 : memref<80x128xf32, #tpu.memory_space<hbm>>) target_semaphore(%arg8 : memref<!tpu.dma_semaphore, #tpu.memory_space<semaphore_mem>>)
      %add3A_171 = arith.constant 0 : i32
      %add3A_172 = arith.addi %mul3A_2, %add3A_171 : i32
      %dma_wait3A_173 = arith.constant 0 : i32
      %dma_wait3A_174 = arith.constant 0 : i32
      %dma_wait3A_175 = arith.constant 0 : i32
      %dma_wait3A_176 = tpu.memref_slice %arg6[%dma_wait3A_173, %dma_wait3A_174, %dma_wait3A_175] : memref<4x80x128xf32, #tpu.memory_space<vmem>> -> memref<1x80x128xf32, #tpu.memory_space<vmem>>
      %dma_wait3A_177 = tpu.memref_squeeze %dma_wait3A_176 : memref<1x80x128xf32, #tpu.memory_space<vmem>> -> memref<80x128xf32, #tpu.memory_space<vmem>>
      %dma_wait3A_178 = arith.constant 0 : i32
      %dma_wait3A_179 = tpu.memref_slice %arg4[%add3A_172, %dma_wait3A_178] : memref<10000x128xf32, #tpu.memory_space<hbm>> -> memref<80x128xf32, #tpu.memory_space<hbm>>
      %dma_wait3A_180 = arith.constant 0 : i32
      %dma_wait3A_181 = tpu.memref_slice %arg4[%add3A_172, %dma_wait3A_180] : memref<10000x128xf32, #tpu.memory_space<hbm>> -> memref<80x128xf32, #tpu.memory_space<hbm>>
      %dma_wait3A_182 = arith.constant 0 : i32
      %dma_wait3A_183 = arith.constant 0 : i32
      %dma_wait3A_184 = tpu.memref_slice %arg6[%dma_wait3A_173, %dma_wait3A_182, %dma_wait3A_183] : memref<4x80x128xf32, #tpu.memory_space<vmem>> -> memref<1x80x128xf32, #tpu.memory_space<vmem>>
      %dma_wait3A_185 = tpu.memref_squeeze %dma_wait3A_184 : memref<1x80x128xf32, #tpu.memory_space<vmem>> -> memref<80x128xf32, #tpu.memory_space<vmem>>
      tpu.wait_dma2 semaphore(%arg8 : memref<!tpu.dma_semaphore, #tpu.memory_space<semaphore_mem>>) src(%dma_wait3A_185 : memref<80x128xf32, #tpu.memory_space<vmem>>) dst(%dma_wait3A_181 : memref<80x128xf32, #tpu.memory_space<hbm>>)
      %add3A_186 = arith.constant 80 : i32
      %add3A_187 = arith.addi %mul3A_2, %add3A_186 : i32
      %dma_wait3A_188 = arith.constant 1 : i32
      %dma_wait3A_189 = arith.constant 0 : i32
      %dma_wait3A_190 = arith.constant 0 : i32
      %dma_wait3A_191 = tpu.memref_slice %arg6[%dma_wait3A_188, %dma_wait3A_189, %dma_wait3A_190] : memref<4x80x128xf32, #tpu.memory_space<vmem>> -> memref<1x80x128xf32, #tpu.memory_space<vmem>>
      %dma_wait3A_192 = tpu.memref_squeeze %dma_wait3A_191 : memref<1x80x128xf32, #tpu.memory_space<vmem>> -> memref<80x128xf32, #tpu.memory_space<vmem>>
      %dma_wait3A_193 = arith.constant 0 : i32
      %dma_wait3A_194 = tpu.memref_slice %arg4[%add3A_187, %dma_wait3A_193] : memref<10000x128xf32, #tpu.memory_space<hbm>> -> memref<80x128xf32, #tpu.memory_space<hbm>>
      %dma_wait3A_195 = arith.constant 0 : i32
      %dma_wait3A_196 = tpu.memref_slice %arg4[%add3A_187, %dma_wait3A_195] : memref<10000x128xf32, #tpu.memory_space<hbm>> -> memref<80x128xf32, #tpu.memory_space<hbm>>
      %dma_wait3A_197 = arith.constant 0 : i32
      %dma_wait3A_198 = arith.constant 0 : i32
      %dma_wait3A_199 = tpu.memref_slice %arg6[%dma_wait3A_188, %dma_wait3A_197, %dma_wait3A_198] : memref<4x80x128xf32, #tpu.memory_space<vmem>> -> memref<1x80x128xf32, #tpu.memory_space<vmem>>
      %dma_wait3A_200 = tpu.memref_squeeze %dma_wait3A_199 : memref<1x80x128xf32, #tpu.memory_space<vmem>> -> memref<80x128xf32, #tpu.memory_space<vmem>>
      tpu.wait_dma2 semaphore(%arg8 : memref<!tpu.dma_semaphore, #tpu.memory_space<semaphore_mem>>) src(%dma_wait3A_200 : memref<80x128xf32, #tpu.memory_space<vmem>>) dst(%dma_wait3A_196 : memref<80x128xf32, #tpu.memory_space<hbm>>)
      %add3A_201 = arith.constant 160 : i32
      %add3A_202 = arith.addi %mul3A_2, %add3A_201 : i32
      %dma_wait3A_203 = arith.constant 2 : i32
      %dma_wait3A_204 = arith.constant 0 : i32
      %dma_wait3A_205 = arith.constant 0 : i32
      %dma_wait3A_206 = tpu.memref_slice %arg6[%dma_wait3A_203, %dma_wait3A_204, %dma_wait3A_205] : memref<4x80x128xf32, #tpu.memory_space<vmem>> -> memref<1x80x128xf32, #tpu.memory_space<vmem>>
      %dma_wait3A_207 = tpu.memref_squeeze %dma_wait3A_206 : memref<1x80x128xf32, #tpu.memory_space<vmem>> -> memref<80x128xf32, #tpu.memory_space<vmem>>
      %dma_wait3A_208 = arith.constant 0 : i32
      %dma_wait3A_209 = tpu.memref_slice %arg4[%add3A_202, %dma_wait3A_208] : memref<10000x128xf32, #tpu.memory_space<hbm>> -> memref<80x128xf32, #tpu.memory_space<hbm>>
      %dma_wait3A_210 = arith.constant 0 : i32
      %dma_wait3A_211 = tpu.memref_slice %arg4[%add3A_202, %dma_wait3A_210] : memref<10000x128xf32, #tpu.memory_space<hbm>> -> memref<80x128xf32, #tpu.memory_space<hbm>>
      %dma_wait3A_212 = arith.constant 0 : i32
      %dma_wait3A_213 = arith.constant 0 : i32
      %dma_wait3A_214 = tpu.memref_slice %arg6[%dma_wait3A_203, %dma_wait3A_212, %dma_wait3A_213] : memref<4x80x128xf32, #tpu.memory_space<vmem>> -> memref<1x80x128xf32, #tpu.memory_space<vmem>>
      %dma_wait3A_215 = tpu.memref_squeeze %dma_wait3A_214 : memref<1x80x128xf32, #tpu.memory_space<vmem>> -> memref<80x128xf32, #tpu.memory_space<vmem>>
      tpu.wait_dma2 semaphore(%arg8 : memref<!tpu.dma_semaphore, #tpu.memory_space<semaphore_mem>>) src(%dma_wait3A_215 : memref<80x128xf32, #tpu.memory_space<vmem>>) dst(%dma_wait3A_211 : memref<80x128xf32, #tpu.memory_space<hbm>>)
      %add3A_216 = arith.constant 240 : i32
      %add3A_217 = arith.addi %mul3A_2, %add3A_216 : i32
      %dma_wait3A_218 = arith.constant 3 : i32
      %dma_wait3A_219 = arith.constant 0 : i32
      %dma_wait3A_220 = arith.constant 0 : i32
      %dma_wait3A_221 = tpu.memref_slice %arg6[%dma_wait3A_218, %dma_wait3A_219, %dma_wait3A_220] : memref<4x80x128xf32, #tpu.memory_space<vmem>> -> memref<1x80x128xf32, #tpu.memory_space<vmem>>
      %dma_wait3A_222 = tpu.memref_squeeze %dma_wait3A_221 : memref<1x80x128xf32, #tpu.memory_space<vmem>> -> memref<80x128xf32, #tpu.memory_space<vmem>>
      %dma_wait3A_223 = arith.constant 0 : i32
      %dma_wait3A_224 = tpu.memref_slice %arg4[%add3A_217, %dma_wait3A_223] : memref<10000x128xf32, #tpu.memory_space<hbm>> -> memref<80x128xf32, #tpu.memory_space<hbm>>
      %dma_wait3A_225 = arith.constant 0 : i32
      %dma_wait3A_226 = tpu.memref_slice %arg4[%add3A_217, %dma_wait3A_225] : memref<10000x128xf32, #tpu.memory_space<hbm>> -> memref<80x128xf32, #tpu.memory_space<hbm>>
      %dma_wait3A_227 = arith.constant 0 : i32
      %dma_wait3A_228 = arith.constant 0 : i32
      %dma_wait3A_229 = tpu.memref_slice %arg6[%dma_wait3A_218, %dma_wait3A_227, %dma_wait3A_228] : memref<4x80x128xf32, #tpu.memory_space<vmem>> -> memref<1x80x128xf32, #tpu.memory_space<vmem>>
      %dma_wait3A_230 = tpu.memref_squeeze %dma_wait3A_229 : memref<1x80x128xf32, #tpu.memory_space<vmem>> -> memref<80x128xf32, #tpu.memory_space<vmem>>
      tpu.wait_dma2 semaphore(%arg8 : memref<!tpu.dma_semaphore, #tpu.memory_space<semaphore_mem>>) src(%dma_wait3A_230 : memref<80x128xf32, #tpu.memory_space<vmem>>) dst(%dma_wait3A_226 : memref<80x128xf32, #tpu.memory_space<hbm>>)
    } else {
    }
    %eq3A = arith.constant 31 : i32
    %eq3A_5 = arith.cmpi eq, %add3A, %eq3A : i32
    %convert_element_type3A_6 = arith.extui %eq3A_5 : i1 to i32
    %cond3A_7 = arith.constant 0 : i32
    %cond3A_8 = arith.cmpi ne, %convert_element_type3A_6, %cond3A_7 : i32
    scf.if %cond3A_8 {
      "tpu.region"() ({
        %run_scoped3A_33 = tpu.sem_alloc : memref<!tpu.dma_semaphore, #tpu.memory_space<semaphore_mem>>
        %dma_start3A_34 = arith.constant 0 : i32
        %dma_start3A_35 = tpu.memref_slice %arg5[%dma_start3A_34] : memref<320xi32, #tpu.memory_space<vmem>> -> memref<80xi32, #tpu.memory_space<vmem>>
        %dma_start3A_36 = arith.constant 9920 : i32
        %dma_start3A_37 = tpu.memref_slice %arg3[%dma_start3A_36] : memref<10000xi32, #tpu.memory_space<hbm>> -> memref<80xi32, #tpu.memory_space<hbm>>
        %dma_start3A_38 = arith.constant 0 : i32
        %dma_start3A_39 = tpu.memref_slice %arg5[%dma_start3A_38] : memref<320xi32, #tpu.memory_space<vmem>> -> memref<80xi32, #tpu.memory_space<vmem>>
        %dma_start3A_40 = arith.constant 9920 : i32
        %dma_start3A_41 = tpu.memref_slice %arg3[%dma_start3A_40] : memref<10000xi32, #tpu.memory_space<hbm>> -> memref<80xi32, #tpu.memory_space<hbm>>
        tpu.enqueue_dma source(%dma_start3A_41 : memref<80xi32, #tpu.memory_space<hbm>>) target(%dma_start3A_39 : memref<80xi32, #tpu.memory_space<vmem>>) target_semaphore(%run_scoped3A_33 : memref<!tpu.dma_semaphore, #tpu.memory_space<semaphore_mem>>)
        %dma_wait3A_42 = arith.constant 0 : i32
        %dma_wait3A_43 = tpu.memref_slice %arg5[%dma_wait3A_42] : memref<320xi32, #tpu.memory_space<vmem>> -> memref<80xi32, #tpu.memory_space<vmem>>
        %dma_wait3A_44 = arith.constant 9920 : i32
        %dma_wait3A_45 = tpu.memref_slice %arg3[%dma_wait3A_44] : memref<10000xi32, #tpu.memory_space<hbm>> -> memref<80xi32, #tpu.memory_space<hbm>>
        %dma_wait3A_46 = arith.constant 0 : i32
        %dma_wait3A_47 = tpu.memref_slice %arg5[%dma_wait3A_46] : memref<320xi32, #tpu.memory_space<vmem>> -> memref<80xi32, #tpu.memory_space<vmem>>
        %dma_wait3A_48 = arith.constant 9920 : i32
        %dma_wait3A_49 = tpu.memref_slice %arg3[%dma_wait3A_48] : memref<10000xi32, #tpu.memory_space<hbm>> -> memref<80xi32, #tpu.memory_space<hbm>>
        tpu.wait_dma2 semaphore(%run_scoped3A_33 : memref<!tpu.dma_semaphore, #tpu.memory_space<semaphore_mem>>) src(%dma_wait3A_49 : memref<80xi32, #tpu.memory_space<hbm>>) dst(%dma_wait3A_47 : memref<80xi32, #tpu.memory_space<vmem>>)
        tpu.yield
      }) : () -> ()
      %dma_start3A = arith.constant 0 : i32
      %dma_start3A_9 = arith.constant 0 : i32
      %dma_start3A_10 = arith.constant 0 : i32
      %dma_start3A_11 = arith.constant 0 : i32
      %dma_start3A_12 = tpu.memref_slice %arg6[%dma_start3A, %dma_start3A_10, %dma_start3A_11] : memref<4x80x128xf32, #tpu.memory_space<vmem>> -> memref<1x80x128xf32, #tpu.memory_space<vmem>>
      %dma_start3A_13 = tpu.memref_squeeze %dma_start3A_12 : memref<1x80x128xf32, #tpu.memory_space<vmem>> -> memref<80x128xf32, #tpu.memory_space<vmem>>
      %dma_start3A_14 = arith.constant 0 : i32
      %dma_start3A_15 = tpu.memref_slice %arg5[%dma_start3A_14] : memref<320xi32, #tpu.memory_space<vmem>> -> memref<80xi32, #tpu.memory_space<vmem>>
      %dma_start3A_16 = arith.constant 0 : i32
      %dma_start3A_17 = arith.constant 0 : i32
      %dma_start3A_18 = tpu.memref_slice %arg2[%dma_start3A_16, %dma_start3A_17] : memref<100000x128xf32, #tpu.memory_space<hbm>> -> memref<100000x128xf32, #tpu.memory_space<hbm>>
      %dma_start3A_19 = tpu.memref_slice %arg7[%dma_start3A_9] : memref<4x!tpu.dma_semaphore, #tpu.memory_space<semaphore_mem>> -> memref<1x!tpu.dma_semaphore, #tpu.memory_space<semaphore_mem>>
      %dma_start3A_20 = tpu.memref_squeeze %dma_start3A_19 : memref<1x!tpu.dma_semaphore, #tpu.memory_space<semaphore_mem>> -> memref<!tpu.dma_semaphore, #tpu.memory_space<semaphore_mem>>
      tpu.enqueue_indirect_dma source(%dma_start3A_18 : memref<100000x128xf32, #tpu.memory_space<hbm>>) target(%dma_start3A_13 : memref<80x128xf32, #tpu.memory_space<vmem>>) offsets(%dma_start3A_15 : memref<80xi32, #tpu.memory_space<vmem>>) semaphore(%dma_start3A_20 : memref<!tpu.dma_semaphore, #tpu.memory_space<semaphore_mem>>)
      %dma_wait3A = arith.constant 0 : i32
      %dma_wait3A_21 = arith.constant 0 : i32
      %dma_wait3A_22 = arith.constant 0 : i32
      %dma_wait3A_23 = arith.constant 0 : i32
      %dma_wait3A_24 = tpu.memref_slice %arg6[%dma_wait3A, %dma_wait3A_22, %dma_wait3A_23] : memref<4x80x128xf32, #tpu.memory_space<vmem>> -> memref<1x80x128xf32, #tpu.memory_space<vmem>>
      %dma_wait3A_25 = tpu.memref_squeeze %dma_wait3A_24 : memref<1x80x128xf32, #tpu.memory_space<vmem>> -> memref<80x128xf32, #tpu.memory_space<vmem>>
      %dma_wait3A_26 = arith.constant 0 : i32
      %dma_wait3A_27 = tpu.memref_slice %arg5[%dma_wait3A_26] : memref<320xi32, #tpu.memory_space<vmem>> -> memref<80xi32, #tpu.memory_space<vmem>>
      %dma_wait3A_28 = arith.constant 0 : i32
      %dma_wait3A_29 = arith.constant 0 : i32
      %dma_wait3A_30 = tpu.memref_slice %arg2[%dma_wait3A_28, %dma_wait3A_29] : memref<100000x128xf32, #tpu.memory_space<hbm>> -> memref<100000x128xf32, #tpu.memory_space<hbm>>
      %dma_wait3A_31 = tpu.memref_slice %arg7[%dma_wait3A_21] : memref<4x!tpu.dma_semaphore, #tpu.memory_space<semaphore_mem>> -> memref<1x!tpu.dma_semaphore, #tpu.memory_space<semaphore_mem>>
      %dma_wait3A_32 = tpu.memref_squeeze %dma_wait3A_31 : memref<1x!tpu.dma_semaphore, #tpu.memory_space<semaphore_mem>> -> memref<!tpu.dma_semaphore, #tpu.memory_space<semaphore_mem>>
      tpu.wait_indirect_dma semaphore(%dma_wait3A_32 : memref<!tpu.dma_semaphore, #tpu.memory_space<semaphore_mem>>) src(%dma_wait3A_30 : memref<100000x128xf32, #tpu.memory_space<hbm>>) dst(%dma_wait3A_25 : memref<80x128xf32, #tpu.memory_space<vmem>>)
      %run_scoped3A = arith.constant 0 : i32
      "tpu.region"() ({
        %run_scoped3A_33 = tpu.sem_alloc : memref<!tpu.dma_semaphore, #tpu.memory_space<semaphore_mem>>
        %dma_start3A_34 = arith.constant 0 : i32
        %dma_start3A_35 = arith.constant 0 : i32
        %dma_start3A_36 = tpu.memref_slice %arg6[%run_scoped3A, %dma_start3A_34, %dma_start3A_35] : memref<4x80x128xf32, #tpu.memory_space<vmem>> -> memref<1x80x128xf32, #tpu.memory_space<vmem>>
        %dma_start3A_37 = tpu.memref_squeeze %dma_start3A_36 : memref<1x80x128xf32, #tpu.memory_space<vmem>> -> memref<80x128xf32, #tpu.memory_space<vmem>>
        %dma_start3A_38 = arith.constant 9920 : i32
        %dma_start3A_39 = arith.constant 0 : i32
        %dma_start3A_40 = tpu.memref_slice %arg4[%dma_start3A_38, %dma_start3A_39] : memref<10000x128xf32, #tpu.memory_space<hbm>> -> memref<80x128xf32, #tpu.memory_space<hbm>>
        %dma_start3A_41 = arith.constant 9920 : i32
        %dma_start3A_42 = arith.constant 0 : i32
        %dma_start3A_43 = tpu.memref_slice %arg4[%dma_start3A_41, %dma_start3A_42] : memref<10000x128xf32, #tpu.memory_space<hbm>> -> memref<80x128xf32, #tpu.memory_space<hbm>>
        %dma_start3A_44 = arith.constant 0 : i32
        %dma_start3A_45 = arith.constant 0 : i32
        %dma_start3A_46 = tpu.memref_slice %arg6[%run_scoped3A, %dma_start3A_44, %dma_start3A_45] : memref<4x80x128xf32, #tpu.memory_space<vmem>> -> memref<1x80x128xf32, #tpu.memory_space<vmem>>
        %dma_start3A_47 = tpu.memref_squeeze %dma_start3A_46 : memref<1x80x128xf32, #tpu.memory_space<vmem>> -> memref<80x128xf32, #tpu.memory_space<vmem>>
        tpu.enqueue_dma source(%dma_start3A_47 : memref<80x128xf32, #tpu.memory_space<vmem>>) target(%dma_start3A_43 : memref<80x128xf32, #tpu.memory_space<hbm>>) target_semaphore(%run_scoped3A_33 : memref<!tpu.dma_semaphore, #tpu.memory_space<semaphore_mem>>)
        %dma_wait3A_48 = arith.constant 0 : i32
        %dma_wait3A_49 = arith.constant 0 : i32
        %dma_wait3A_50 = tpu.memref_slice %arg6[%run_scoped3A, %dma_wait3A_48, %dma_wait3A_49] : memref<4x80x128xf32, #tpu.memory_space<vmem>> -> memref<1x80x128xf32, #tpu.memory_space<vmem>>
        %dma_wait3A_51 = tpu.memref_squeeze %dma_wait3A_50 : memref<1x80x128xf32, #tpu.memory_space<vmem>> -> memref<80x128xf32, #tpu.memory_space<vmem>>
        %dma_wait3A_52 = arith.constant 9920 : i32
        %dma_wait3A_53 = arith.constant 0 : i32
        %dma_wait3A_54 = tpu.memref_slice %arg4[%dma_wait3A_52, %dma_wait3A_53] : memref<10000x128xf32, #tpu.memory_space<hbm>> -> memref<80x128xf32, #tpu.memory_space<hbm>>
        %dma_wait3A_55 = arith.constant 9920 : i32
        %dma_wait3A_56 = arith.constant 0 : i32
        %dma_wait3A_57 = tpu.memref_slice %arg4[%dma_wait3A_55, %dma_wait3A_56] : memref<10000x128xf32, #tpu.memory_space<hbm>> -> memref<80x128xf32, #tpu.memory_space<hbm>>
        %dma_wait3A_58 = arith.constant 0 : i32
        %dma_wait3A_59 = arith.constant 0 : i32
        %dma_wait3A_60 = tpu.memref_slice %arg6[%run_scoped3A, %dma_wait3A_58, %dma_wait3A_59] : memref<4x80x128xf32, #tpu.memory_space<vmem>> -> memref<1x80x128xf32, #tpu.memory_space<vmem>>
        %dma_wait3A_61 = tpu.memref_squeeze %dma_wait3A_60 : memref<1x80x128xf32, #tpu.memory_space<vmem>> -> memref<80x128xf32, #tpu.memory_space<vmem>>
        tpu.wait_dma2 semaphore(%run_scoped3A_33 : memref<!tpu.dma_semaphore, #tpu.memory_space<semaphore_mem>>) src(%dma_wait3A_61 : memref<80x128xf32, #tpu.memory_space<vmem>>) dst(%dma_wait3A_57 : memref<80x128xf32, #tpu.memory_space<hbm>>)
        tpu.yield
      }) : () -> ()
    } else {
    }
    return
  }
}

</mosaic_0001>

<sc_bundles>
// kernel: kernel.3.cloned.1.call-start
scs
__scs_entry_jumppad:
0x0: {  	(pc) =	sbr.rel $0x88, $3  }
0x1: {  	(tag) =	ssettag $0x0;
	lr =	simm.s32 $0x1  }
0x2: {  	[smem:$0x3F9F] =	sst lr;
	_ =	strace $0xD0000000  }
0x3: {  	_ = 	snop  }
0x4: {  	_ = 	snop  }
0x5: {  	_ = 	snop  }
0x6: {  	_ = 	snop  }
0x7: {  	_ = 	snop  }
__scs_overlays_trampoline_lowered:
0x8: {  	[smem:$0x3FAE] =	sst s0  }
0x9: {  	[smem:$0x3FAF] =	sst s1  }
0xa: {  	[smem:$0x3FB0] =	sst s2  }
0xb: {  	[smem:$0x3FB1] =	sst s3  }
0xc: {  	[smem:$0x3FB2] =	sst s4  }
0xd: {  	[smem:$0x3FB3] =	sst s5  }
0xe: {  	[smem:$0x3FB4] =	sst s6  }
0xf: {  	[smem:$0x3FB5] =	sst s7  }
0x10: {  	[smem:$0x3FB6] =	sst s8  }
0x11: {  	[smem:$0x3FB7] =	sst s9;
	s0 =	simm.s32 @!p0 $0x0  }
0x12: {  	s1 =	sld [smem:$0x3F9D];
	s0 =	simm.s32 @p0 $0x1  }
0x13: {  	[smem:$0x3FB8] =	sst s0;
	s0 =	simm.s32 @!p1 $0x0  }
0x14: {  	s2 =	sld [smem:$0x3F9C];
	s0 =	simm.s32 @p1 $0x1  }
0x15: {  	[smem:$0x3FB9] =	sst s0;
	s0 =	simm.s32 @!p2 $0x0  }
0x16: {  	s3 =	sld [smem:$0x3FDB];
	s0 =	simm.s32 @p2 $0x1  }
0x17: {  	s4 =	simm.s32 $0x1BF5;
	[smem:$0x3FBB] =	sst s0  }
0x18: {  	s0 =	sld [smem:$0x3F9E];
	_ =	swait.ge [sflag:s4], $0x0  }
0x19: {  	s7 =	sld [smem:$0x3F9F]  }
0x1a: {  	s8 =	sadd.s32 $0xFFFFE003, lr  }
0x1b: {  	s9 =	sadd.s32 $0xFFFFFEF7, lr;
	s5 =	simm.s32 $0xFFFFFFFF;
	p2 =	slt.u32 s8, $0xFFFFF086  }
0x1c: {  	p1 =	slt.u32 s9, $0xF7A;
	s5 =	simm.s32 @!p2 $0x0  }
0x1d: {  	s5 =	simm.s32 @p1 $0x1;
	p0 =	seq.s32 s7, s2  }
0x1e: {  	s7 =	smul.u32 @!p0 $0xF7A, s2;
	p2 =	seq.s32 @!p0 s5, $0x0  }
0x1f: {  	s9 =	smul.u32 $0xF7A, s1;
	s8 =	simm.s32 @!p0 $0x1BF5;
	p2 =	por !p2, p0  }
0x20: {  	[sflag:s8] =	ssyncset.s32 @!p0 $0xFFFFF086;
	s6 =	sadd.s32 @!p0 s3, s7;
	s7 =	simm.s32 @!p0 $0x108  }
0x21: {  	s3 =	sadd.s32 s3, s9;
	s6 =	sadd.s32 @!p0 $0x88, s6;
	s7 =	simm.s32 @p2 $0x1082  }
0x22: {  	[simem:s7], [sflag:s8] =	dma.local @!p0 [hbm:s6], $0xF7A  }
0x23: {  	s9 =	sor.u32 $0xD0000000, s2;
	s6 =	simm.s32 $0x108;
	_ =	swait.ge @!p0 [sflag:s8], $0x0  }
0x24: {  	s3 =	sadd.s32 $0x88, s3;
	s6 =	simm.s32 @!p1 $0x1082;
	[sflag:s4] =	ssyncset.s32 $0xFFFFF086  }
0x25: {  	[simem:s6], [sflag:s4] =	dma.local [hbm:s3], $0xF7A  }
0x26: {  	[smem:$0x3F9F] =	sst s1;
	(tag) =	ssettag s2;
	_ =	strace s9  }
0x27: {  	s1 =	sld [smem:$0x3FAF]  }
0x28: {  	s2 =	sld [smem:$0x3FB0]  }
0x29: {  	s4 =	sld [smem:$0x3FB2]  }
0x2a: {  	p0 =	seq.s32 s5, $0x0;
	s5 =	sld [smem:$0x3FB3]  }
0x2b: {  	s6 =	sld [smem:$0x3FB4]  }
0x2c: {  	s7 =	sld [smem:$0x3FB5]  }
0x2d: {  	s3 =	simm.s32 $0x108;
	s8 =	sld [smem:$0x3FB6]  }
0x2e: {  	s3 =	simm.s32 @!p0 $0x1082;
	s9 =	sld [smem:$0x3FB7]  }
0x2f: {  	lr =	sadd.s32 s0, s3;
	s0 =	sld [smem:$0x3FAE]  }
0x30: {  	s3 =	sld [smem:$0x3FB1]  }
0x31: {  	[smem:$0x3FBA] =	sst s10  }
0x32: {  	s10 =	sld [smem:$0x3FB8];
	_ =	sdelay $0x3  }
0x33: {  	p0 =	seq.s32 s10, $0x1;
	s10 =	sld [smem:$0x3FBA];
	_ =	sdelay $0x3  }
0x34: {  	[smem:$0x3FBA] =	sst s10  }
0x35: {  	s10 =	sld [smem:$0x3FB9];
	_ =	sdelay $0x3  }
0x36: {  	p1 =	seq.s32 s10, $0x1;
	s10 =	sld [smem:$0x3FBA];
	_ =	sdelay $0x3  }
0x37: {  	[smem:$0x3FBA] =	sst s10  }
0x38: {  	s10 =	sld [smem:$0x3FBB]  }
0x39: {  	_ = 	snop;
	(pc) =	sbr.ind lr, $3  }
0x3a: {  	_ = 	snop  }
0x3b: {  	_ = 	snop  }
0x3c: {  	p2 =	seq.s32 s10, $0x1;
	s10 =	sld [smem:$0x3FBA]  }
0x3d: {  	_ =	shalt  }
0x3e: {  	_ =	shalt  }
0x3f: {  	_ =	shalt  }
0x40: {  	_ =	shalt  }
0x41: {  	_ =	shalt  }
0x42: {  	_ =	shalt  }
0x43: {  	_ =	shalt  }
0x44: {  	_ =	shalt  }
0x45: {  	_ =	shalt  }
0x46: {  	_ =	shalt  }
0x47: {  	_ =	shalt  }
0x48: {  	_ =	shalt  }
0x49: {  	_ =	shalt  }
0x4a: {  	_ =	shalt  }
0x4b: {  	_ =	shalt  }
0x4c: {  	_ =	shalt  }
0x4d: {  	_ =	shalt  }
0x4e: {  	_ =	shalt  }
0x4f: {  	_ =	shalt  }
0x50: {  	_ =	shalt  }
0x51: {  	_ =	shalt  }
0x52: {  	_ =	shalt  }
0x53: {  	_ =	shalt  }
0x54: {  	_ =	shalt  }
0x55: {  	_ =	shalt  }
0x56: {  	_ =	shalt  }
0x57: {  	_ =	shalt  }
0x58: {  	_ =	shalt  }
0x59: {  	_ =	shalt  }
0x5a: {  	_ =	shalt  }
0x5b: {  	_ =	shalt  }
0x5c: {  	_ =	shalt  }
0x5d: {  	_ =	shalt  }
0x5e: {  	_ =	shalt  }
0x5f: {  	_ =	shalt  }
0x60: {  	_ =	shalt  }
0x61: {  	_ =	shalt  }
0x62: {  	_ =	shalt  }
0x63: {  	_ =	shalt  }
0x64: {  	_ =	shalt  }
0x65: {  	_ =	shalt  }
0x66: {  	_ =	shalt  }
0x67: {  	_ =	shalt  }
0x68: {  	_ =	shalt  }
0x69: {  	_ =	shalt  }
0x6a: {  	_ =	shalt  }
0x6b: {  	_ =	shalt  }
0x6c: {  	_ =	shalt  }
0x6d: {  	_ =	shalt  }
0x6e: {  	_ =	shalt  }
0x6f: {  	_ =	shalt  }
0x70: {  	_ =	shalt  }
0x71: {  	_ =	shalt  }
0x72: {  	_ =	shalt  }
0x73: {  	_ =	shalt  }
0x74: {  	_ =	shalt  }
0x75: {  	_ =	shalt  }
0x76: {  	_ =	shalt  }
0x77: {  	_ =	shalt  }
0x78: {  	_ =	shalt  }
0x79: {  	_ =	shalt  }
0x7a: {  	_ =	shalt  }
0x7b: {  	_ =	shalt  }
0x7c: {  	_ =	shalt  }
0x7d: {  	_ =	shalt  }
0x7e: {  	_ =	shalt  }
0x7f: {  	_ =	shalt  }
0x80: {  	_ =	shalt  }
0x81: {  	_ =	shalt  }
0x82: {  	_ =	shalt  }
0x83: {  	_ =	shalt  }
0x84: {  	_ =	shalt  }
0x85: {  	_ =	shalt  }
0x86: {  	_ =	shalt  }
0x87: {  	_ =	shalt  }
.Lfunc_end0:
.L_simem_size_0:
called_computation_lowered:
.L_overlay_start_0:
0x88: {  	s2 =	sld [smem:$0x3FD9]  }
0x89: {  	s3 =	sld [smem:$0x3FFE];
	_ =	sdelay $0x1  }
0x8a: {  	s1 =	srdreg.scid  }
0x8b: {  	s0 =	sand.u32 $0x1, s1  }
0x8c: {  	s18 =	sshll.u32 s0, $0xA;
	s2 =	sadd.s32 s3, s2  }
0x8d: {  	s2 =	sadd.s32 s2, s18  }
0x8e: {  	[smem:$0x3FC6] =	sst s2  }
0x8f: {  	_ = 	snop  }
0x90: {  	s2 =	sld [smem:$0x3FC9]  }
0x91: {  	s19 =	sld [smem:$0x3FC8]  }
0x92: {  	s4 =	sld [smem:$0x3FD0];
	(tm) =	ssettm $0x1  }
0x93: {  	s5 =	sld [smem:$0x3FFB];
	_ =	sdelay $0x3  }
0x94: {  	_ =	strace s5  }
0x95: {  	s5 =	sld [smem:$0x3FFC];
	_ =	sdelay $0x3  }
0x96: {  	_ =	strace s5  }
0x97: {  	s5 =	sld [smem:$0x3FFD];
	_ =	sdelay $0x3  }
0x98: {  	_ =	strace s5  }
0x99: {  	_ =	strace $0x8FFFFFFF  }
0x9a: {  	s20 =	sld [smem:$0x3FDB];
	_ =	sdelay $0x1  }
0x9b: {  	s6 =	simm.s32 $_scs_section_size  }
0x9c: {  	s7 =	simm.s32 $_size__tile_overlayer_lowered;
	s8 =	simm.s32 $_tile_overlayer_lowered  }
0x9d: {  	s23 =	simm.s32 $0x1BFF;
	s22 =	sshll.u32 s8, $0x1;
	s5 =	sadd.s32 s6, s20  }
0x9e: {  	s9 =	simm.s32 $0x0;
	s21 =	sshll.u32 s7, $0x1;
	s7 =	sadd.s32 s22, s5  }
0x9f: {  	[timem:s9], [sflag:s23] =	dma.local [hbm:s7], s21  }
0xa0: {  	_ =	swait.ge [sflag:s23], s21  }
0xa1: {  	s6 =	ssub.s32 $0x0, s21;
	[sflag:s23] =	ssyncset.done $0x0  }
0xa2: {  	[sflag:s23] =	ssyncadd.s32 s6;
	_ =	sdelay $0x1  }
0xa3: {  	s24 =	simm.s32 $0x1B8B  }
0xa4: {  	_ =	swait.ge [sflag:s24], $0x1  }
0xa5: {  	[sflag:s24] =	ssyncset.done $0x0  }
0xa6: {  	s25 =	simm.s32 $0x1B8E;
	[sflag:s24] =	ssyncadd.s32 $0xFFFFFFFF  }
0xa7: {  	s26 =	simm.s32 $execute0_lowered;
	[smem:$0x3FD2] =	sst s25  }
0xa8: {  	s6 =	sshll.u32 s26, $0x1;
	_ =	strace $0x80000046;
	[dreg:$0x1] =	wrdreg $0xFFFFFFFF  }
0xa9: {  	s28 =	simm.s32 $_size_execute0_lowered;
	s5 =	sadd.s32 s5, s6;
	[dreg:$0x0] =	wrdreg $0x0  }
0xaa: {  	s6 =	sshll.u32 s28, $0x1;
	[dreg:$0x2] =	wrdreg s5  }
0xab: {  	[dreg:$0x3] =	wrdreg s6  }
0xac: {  	[dreg:$0x4] =	wrdreg $0xC0  }
0xad: {  	_ =	task [dreg:s9], $0x5FFFF  }
0xae: {  	[dreg:$0x1] =	wrdreg $0xFFFFFFFF  }
0xaf: {  	[dreg:$0x0] =	wrdreg $0x60  }
0xb0: {  	[dreg:$0x2] =	wrdreg s19  }
0xb1: {  	[dreg:$0x3] =	wrdreg s2  }
0xb2: {  	[dreg:$0x4] =	wrdreg s4  }
0xb3: {  	[dreg:$0x5] =	wrdreg $0x9  }
0xb4: {  	_ =	task.clear_ibuf [dreg:s9], $0x6FFFF;
	_ =	strace $0x90000046  }
0xb5: {  	s29 =	simm.s32 $0x9;
	_ =	strace $0x80000048  }
0xb6: {  	_ =	swait.ge [sflag:s29], $0x1  }
0xb7: {  	[sflag:s29] =	ssyncadd.s32 $0xFFFFFFFF  }
0xb8: {  	_ =	strace $0x90000048  }
0xb9: {  	_ =	sfence  }
0xba: {  	s30 =	sld [smem:$0x0];
	_ =	sdelay $0x2  }
0xbb: {  	s31 =	sshll.u32 s1, $0xD;
	s1 =	sshrl.u32 s1, $0x2  }
0xbc: {  	s3 =	sand.u32 $0x4000, s31;
	s1 =	sadd.s32 s1, s30  }
0xbd: {  	s0 =	sor.u32 s3, s0;
	s1 =	sshll.u32 s1, $0x11  }
0xbe: {  	s0 =	sor.u32 s1, s0  }
0xbf: {  	s0 =	sadd.s32 $0x8F2B, s0  }
0xc0: {  	[sflag:s0] =	ssyncadd.remote.s32 $0x1  }
0xc1: {  	_ =	sfence.sel $0xFFFF  }
0xc2: {  	[dreg:$0x0] =	wrdreg $0xFFFFFFFF;
	(pc) =	sbr.abs _section_cstart, $3  }
0xc3: {  	[dreg:$0x1] =	wrdreg $0xFFFFFFFF  }
0xc4: {  	_ =	task.clear_ibuf [dreg:s9], $0x2FFFF;
	_ =	strace $0x9FFFFFFF  }
0xc5: {  	(tm) =	ssettm $0x7FFFFFFF  }
tec
execute0_lowered:
.L_overlay_start_1:
0x0: {  	(tag) =	ssettag $0x1  }
0x1: {  	s1 =	srdreg.scid;
	s0 =	stileid.u32  }
0x2: {  	s3 =	sand.u32 $0x1, s1;
	s26 =	sshll.u32 s0, $0x1  }
0x3: {  	s11 =	sor.u32 s3, s26;
	s3 =	ssub.s32 $0x2, s3  }
0x4: {  	s6 =	sshrl.u32 s3, $0x1  }
0x5: {  	s2 =	rddreg [dreg:$0x0];
	s3 =	ssub.s32 s3, s6  }
0x6: {  	s8 =	rddreg [dreg:$0x1];
	s5 =	smul.u32 $0x28, s11;
	s3 =	smax.u32 s3, $0x1  }
0x7: {  	s10 =	rddreg [dreg:$0x2];
	s28 =	smul.u32 $0xA000, s11;
	s31 =	sadd.s32 $0xFFFFFFFF, s3  }
0x8: {  	s4 =	simm.s32 $0x0;
	s9 =	smul.u32 $0x1400, s11;
	p2 =	sne.s32 s31, $0x0  }
.Ltmp0:
0x9: {  	p1 =	por $0x0, $0x0;
	[smem:$0x7FF] =	sst s4;
	(pc) =	sbr.rel @!p2 .LBB2_3-.Ltmp0, $4  }
0xa: {  	s1 =	rddreg [dreg:$0x3];
	_ =	strace $0x80000047;
	p0 =	seq.s32 s11, $0x1F  }
0xb: {  	s7 =	sadd.s32 s8, s5;
	s4 =	sshrl.u32 s28, $0x3;
	s6 =	sadd.s32 s10, s9  }
0xc: {  	s9 =	sadd.s32 $0x4D8, s8;
	s8 =	sadd.s32 $0x26C00, s10;
	s29 =	sadd.s32 s10, s4  }
0xd: {  	s5 =	sadd.s32 $0x500, s29;
	s4 =	sadd.s32 $0xA00, s29;
	s3 =	sadd.s32 $0xF00, s29  }
0xe: {  	s10 =	simm.s32 @p0 $0x0;
	s11 =	simm.s32 @p0 $0x6  }
0xf: {  	[tilespmem:s10], [sflag:$0x6] =	stream.linear.gather @p0 [hbm4b:s9+s10], $0x50, $0x38;
	[tilespmem:$0xA180] =	vst v63  }
0x10: {  	_ =	swait.ge @p0 [sflag:s11], $0x50  }
0x11: {  	s12 =	simm.s32 @p0 $0x1;
	[sflag:s11] =	ssyncset.done @p0 $0x0  }
0x12: {  	s13 =	simm.s32 @p0 $0x50;
	s14 =	simm.s32 @p0 $0x180;
	[sflag:s11] =	ssyncadd.s32 @p0 $0xFFFFFFB0  }
0x13: {  	[tilespmem:s14], [sflag:$0x1] =	stream.indirect.gather @p0 [hbm4b:s2+s13], $0x80, s10, s13, $0xb8;
	[tilespmem:$0xA180] =	vst v63  }
0x14: {  	_ =	swait.ge @p0 [sflag:s12], $0x2800  }
0x15: {  	[sflag:s12] =	ssyncset.done @p0 $0x0  }
0x16: {  	[sflag:s12] =	ssyncadd.s32 @p0 $0xFFFFD800  }
0x17: {  	[hbm4b:s8+s10] =	stream.linear.scatter @p0 [tilespmem:s14], [sflag:$0x6], $0x2800, $0x38;
	[tilespmem:$0xA180] =	vst v63  }
0x18: {  	s15 =	simm.s32 @!p0 $0x0;
	s16 =	simm.s32 @!p0 $0x6  }
0x19: {  	[tilespmem:s15], [sflag:$0x6] =	stream.linear.gather @!p0 [hbm4b:s7+s15], $0x140, $0x38;
	[tilespmem:$0xA180] =	vst v63  }
0x1a: {  	_ =	swait.ge @!p0 [sflag:s16], $0x140  }
0x1b: {  	[sflag:s16] =	ssyncset.done @!p0 $0x0  }
0x1c: {  	s17 =	simm.s32 @!p0 $0x50;
	s18 =	simm.s32 @!p0 $0x180;
	[sflag:s16] =	ssyncadd.s32 @!p0 $0xFFFFFEC0  }
0x1d: {  	[tilespmem:s18], [sflag:$0x1] =	stream.indirect.gather @!p0 [hbm4b:s2+s17], $0x80, s15, s17, $0xb8;
	[tilespmem:$0xA180] =	vst v63  }
0x1e: {  	s19 =	simm.s32 @!p0 $0x2980  }
0x1f: {  	[tilespmem:s19], [sflag:$0x2] =	stream.indirect.gather @!p0 [hbm4b:s2+s17], $0x80, s17, s17, $0xb8;
	[tilespmem:$0xA180] =	vst v63  }
0x20: {  	s20 =	simm.s32 @!p0 $0xA0;
	s21 =	simm.s32 @!p0 $0x5180  }
0x21: {  	[tilespmem:s21], [sflag:$0x3] =	stream.indirect.gather @!p0 [hbm4b:s2+s17], $0x80, s20, s17, $0xb8;
	[tilespmem:$0xA180] =	vst v63  }
0x22: {  	s22 =	simm.s32 @!p0 $0xF0;
	s23 =	simm.s32 @!p0 $0x7980;
	s24 =	simm.s32 @!p0 $0x1  }
0x23: {  	[tilespmem:s23], [sflag:$0x4] =	stream.indirect.gather @!p0 [hbm4b:s2+s17], $0x80, s22, s17, $0xb8;
	[tilespmem:$0xA180] =	vst v63  }
0x24: {  	_ =	swait.ge @!p0 [sflag:s24], $0x2800  }
0x25: {  	[sflag:s24] =	ssyncset.done @!p0 $0x0  }
0x26: {  	s25 =	simm.s32 @!p0 $0x2;
	[sflag:s24] =	ssyncadd.s32 @!p0 $0xFFFFD800  }
0x27: {  	[hbm4b:s6+s15] =	stream.linear.scatter @!p0 [tilespmem:s18], [sflag:$0x5], $0x2800, $0x38;
	[tilespmem:$0xA180] =	vst v63  }
0x28: {  	_ =	swait.ge @!p0 [sflag:s25], $0x2800  }
0x29: {  	[sflag:s25] =	ssyncset.done @!p0 $0x0  }
0x2a: {  	s26 =	simm.s32 @!p0 $0x3;
	[sflag:s25] =	ssyncadd.s32 @!p0 $0xFFFFD800  }
0x2b: {  	[hbm4b:s5+s15] =	stream.linear.scatter @!p0 [tilespmem:s19], [sflag:$0x5], $0x2800, $0x38;
	[tilespmem:$0xA180] =	vst v63  }
0x2c: {  	_ =	swait.ge @!p0 [sflag:s26], $0x2800  }
0x2d: {  	[sflag:s26] =	ssyncset.done @!p0 $0x0  }
0x2e: {  	s28 =	simm.s32 @!p0 $0x4;
	[sflag:s26] =	ssyncadd.s32 @!p0 $0xFFFFD800  }
0x2f: {  	[hbm4b:s4+s15] =	stream.linear.scatter @!p0 [tilespmem:s21], [sflag:$0x5], $0x2800, $0x38;
	[tilespmem:$0xA180] =	vst v63  }
0x30: {  	_ =	swait.ge @!p0 [sflag:s28], $0x2800  }
0x31: {  	[sflag:s28] =	ssyncset.done @!p0 $0x0  }
0x32: {  	s29 =	simm.s32 @!p0 $0x5;
	[sflag:s28] =	ssyncadd.s32 @!p0 $0xFFFFD800  }
0x33: {  	[hbm4b:s3+s15] =	stream.linear.scatter @!p0 [tilespmem:s23], [sflag:$0x5], $0x2800, $0x38;
	[tilespmem:$0xA180] =	vst v63  }
0x34: {  	_ =	swait.ge @!p0 [sflag:s29], $0x2800  }
0x35: {  	[sflag:s29] =	ssyncset.done @!p0 $0x0  }
0x36: {  	[sflag:s29] =	ssyncadd.s32 @!p0 $0xFFFFD800  }
0x37: {  	_ =	swait.ge @!p0 [sflag:s29], $0x2800  }
0x38: {  	s31 =	sadd.s32 $0xFFFFFFFF, s31;
	[sflag:s29] =	ssyncset.done @!p0 $0x0  }
0x39: {  	p2 =	sne.s32 s31, $0x0;
	[sflag:s29] =	ssyncadd.s32 @!p0 $0xFFFFD800  }
.Ltmp1:
0x3a: {  	_ =	swait.ge @!p0 [sflag:s29], $0x2800;
	(pc) =	sbr.rel @!p2 .LBB2_3-.Ltmp1, $4  }
0x3b: {  	s30 =	simm.s32 @!p0 $0x5;
	[sflag:s29] =	ssyncset.done @!p0 $0x0  }
0x3c: {  	s30 =	simm.s32 @p0 $0x6;
	[sflag:s29] =	ssyncadd.s32 @!p0 $0xFFFFD800  }
0x3d: {  	_ =	swait.ge [sflag:s30], $0x2800  }
0x3e: {  	p1 =	por $0x1, $0x1;
	[sflag:s30] =	ssyncset.done $0x0  }
.LBB2_2:
0x3f: {  	[sflag:s30] =	ssyncadd.s32 $0xFFFFD800  }
0x40: {  	[tilespmem:s10], [sflag:$0x6] =	stream.linear.gather @p0 [hbm4b:s9+s10], $0x50, $0x38;
	[tilespmem:$0xA180] =	vst v63  }
0x41: {  	s31 =	sadd.s32 $0xFFFFFFFF, s31;
	_ =	swait.ge @p0 [sflag:s11], $0x50  }
0x42: {  	p2 =	sne.s32 s31, $0x0;
	[sflag:s11] =	ssyncset.done @p0 $0x0  }
0x43: {  	[sflag:s11] =	ssyncadd.s32 @p0 $0xFFFFFFB0  }
0x44: {  	[tilespmem:s14], [sflag:$0x1] =	stream.indirect.gather @p0 [hbm4b:s2+s13], $0x80, s10, s13, $0xb8;
	[tilespmem:$0xA180] =	vst v63  }
0x45: {  	_ =	swait.ge @p0 [sflag:s12], $0x2800  }
0x46: {  	[sflag:s12] =	ssyncset.done @p0 $0x0  }
0x47: {  	[sflag:s12] =	ssyncadd.s32 @p0 $0xFFFFD800  }
0x48: {  	[hbm4b:s8+s10] =	stream.linear.scatter @p0 [tilespmem:s14], [sflag:$0x6], $0x2800, $0x38;
	[tilespmem:$0xA180] =	vst v63  }
0x49: {  	_ = 	snop  }
0x4a: {  	[tilespmem:s15], [sflag:$0x6] =	stream.linear.gather @!p0 [hbm4b:s7+s15], $0x140, $0x38;
	[tilespmem:$0xA180] =	vst v63  }
0x4b: {  	_ =	swait.ge @!p0 [sflag:s16], $0x140  }
0x4c: {  	[sflag:s16] =	ssyncset.done @!p0 $0x0  }
0x4d: {  	[sflag:s16] =	ssyncadd.s32 @!p0 $0xFFFFFEC0  }
0x4e: {  	[tilespmem:s18], [sflag:$0x1] =	stream.indirect.gather @!p0 [hbm4b:s2+s17], $0x80, s15, s17, $0xb8;
	[tilespmem:$0xA180] =	vst v63  }
0x4f: {  	_ = 	snop  }
0x50: {  	[tilespmem:s19], [sflag:$0x2] =	stream.indirect.gather @!p0 [hbm4b:s2+s17], $0x80, s17, s17, $0xb8;
	[tilespmem:$0xA180] =	vst v63  }
0x51: {  	_ = 	snop  }
0x52: {  	[tilespmem:s21], [sflag:$0x3] =	stream.indirect.gather @!p0 [hbm4b:s2+s17], $0x80, s20, s17, $0xb8;
	[tilespmem:$0xA180] =	vst v63  }
0x53: {  	_ = 	snop  }
0x54: {  	[tilespmem:s23], [sflag:$0x4] =	stream.indirect.gather @!p0 [hbm4b:s2+s17], $0x80, s22, s17, $0xb8;
	[tilespmem:$0xA180] =	vst v63  }
0x55: {  	_ =	swait.ge @!p0 [sflag:s24], $0x2800  }
0x56: {  	[sflag:s24] =	ssyncset.done @!p0 $0x0  }
0x57: {  	[sflag:s24] =	ssyncadd.s32 @!p0 $0xFFFFD800  }
0x58: {  	[hbm4b:s6+s15] =	stream.linear.scatter @!p0 [tilespmem:s18], [sflag:$0x5], $0x2800, $0x38;
	[tilespmem:$0xA180] =	vst v63  }
0x59: {  	_ =	swait.ge @!p0 [sflag:s25], $0x2800  }
0x5a: {  	[sflag:s25] =	ssyncset.done @!p0 $0x0  }
0x5b: {  	[sflag:s25] =	ssyncadd.s32 @!p0 $0xFFFFD800  }
0x5c: {  	[hbm4b:s5+s15] =	stream.linear.scatter @!p0 [tilespmem:s19], [sflag:$0x5], $0x2800, $0x38;
	[tilespmem:$0xA180] =	vst v63  }
0x5d: {  	_ =	swait.ge @!p0 [sflag:s26], $0x2800  }
0x5e: {  	[sflag:s26] =	ssyncset.done @!p0 $0x0  }
0x5f: {  	[sflag:s26] =	ssyncadd.s32 @!p0 $0xFFFFD800  }
0x60: {  	[hbm4b:s4+s15] =	stream.linear.scatter @!p0 [tilespmem:s21], [sflag:$0x5], $0x2800, $0x38;
	[tilespmem:$0xA180] =	vst v63  }
0x61: {  	_ =	swait.ge @!p0 [sflag:s28], $0x2800  }
0x62: {  	[sflag:s28] =	ssyncset.done @!p0 $0x0  }
0x63: {  	[sflag:s28] =	ssyncadd.s32 @!p0 $0xFFFFD800  }
0x64: {  	[hbm4b:s3+s15] =	stream.linear.scatter @!p0 [tilespmem:s23], [sflag:$0x5], $0x2800, $0x38;
	[tilespmem:$0xA180] =	vst v63  }
0x65: {  	_ =	swait.ge @!p0 [sflag:s29], $0x2800  }
0x66: {  	[sflag:s29] =	ssyncset.done @!p0 $0x0  }
0x67: {  	[sflag:s29] =	ssyncadd.s32 @!p0 $0xFFFFD800  }
0x68: {  	_ =	swait.ge @!p0 [sflag:s29], $0x2800  }
0x69: {  	[sflag:s29] =	ssyncset.done @!p0 $0x0  }
0x6a: {  	[sflag:s29] =	ssyncadd.s32 @!p0 $0xFFFFD800  }
.Ltmp2:
0x6b: {  	_ =	swait.ge @!p0 [sflag:s29], $0x2800;
	(pc) =	sbr.rel @p2 .LBB2_2-.Ltmp2, $4  }
0x6c: {  	[sflag:s29] =	ssyncset.done @!p0 $0x0  }
0x6d: {  	[sflag:s29] =	ssyncadd.s32 @!p0 $0xFFFFD800  }
0x6e: {  	_ =	swait.ge [sflag:s30], $0x2800  }
0x6f: {  	[sflag:s30] =	ssyncset.done $0x0  }
.LBB2_3:
0x70: {  	s10 =	simm.s32 @p0 $0x0;
	s11 =	simm.s32 @p0 $0x6;
	[sflag:s30] =	ssyncadd.s32 @p1 $0xFFFFD800  }
0x71: {  	[tilespmem:s10], [sflag:$0x6] =	stream.linear.gather @p0 [hbm4b:s9+s10], $0x50, $0x38;
	[tilespmem:$0xA180] =	vst v63  }
0x72: {  	_ =	swait.ge @p0 [sflag:s11], $0x50  }
0x73: {  	s12 =	simm.s32 @p0 $0x180;
	[sflag:s11] =	ssyncset.done @p0 $0x0  }
0x74: {  	s9 =	simm.s32 @p0 $0x1;
	[sflag:s11] =	ssyncadd.s32 @p0 $0xFFFFFFB0;
	s11 =	simm.s32 @p0 $0x50  }
0x75: {  	[tilespmem:s12], [sflag:$0x1] =	stream.indirect.gather @p0 [hbm4b:s2+s11], $0x80, s10, s11, $0xb8;
	[tilespmem:$0xA180] =	vst v63  }
0x76: {  	_ =	swait.ge @p0 [sflag:s9], $0x2800  }
0x77: {  	[sflag:s9] =	ssyncset.done @p0 $0x0  }
0x78: {  	[sflag:s9] =	ssyncadd.s32 @p0 $0xFFFFD800  }
0x79: {  	[hbm4b:s8+s10] =	stream.linear.scatter @p0 [tilespmem:s12], [sflag:$0x6], $0x2800, $0x38;
	[tilespmem:$0xA180] =	vst v63  }
0x7a: {  	s9 =	simm.s32 @!p0 $0x6;
	s8 =	simm.s32 @!p0 $0x0  }
0x7b: {  	[tilespmem:s8], [sflag:$0x6] =	stream.linear.gather @!p0 [hbm4b:s7+s8], $0x140, $0x38;
	[tilespmem:$0xA180] =	vst v63  }
0x7c: {  	_ =	swait.ge @!p0 [sflag:s9], $0x140  }
0x7d: {  	[sflag:s9] =	ssyncset.done @!p0 $0x0  }
0x7e: {  	s7 =	simm.s32 @!p0 $0x50;
	[sflag:s9] =	ssyncadd.s32 @!p0 $0xFFFFFEC0;
	s9 =	simm.s32 @!p0 $0x180  }
0x7f: {  	[tilespmem:s9], [sflag:$0x1] =	stream.indirect.gather @!p0 [hbm4b:s2+s7], $0x80, s8, s7, $0xb8;
	[tilespmem:$0xA180] =	vst v63  }
0x80: {  	s10 =	simm.s32 @!p0 $0x2980  }
0x81: {  	[tilespmem:s10], [sflag:$0x2] =	stream.indirect.gather @!p0 [hbm4b:s2+s7], $0x80, s7, s7, $0xb8;
	[tilespmem:$0xA180] =	vst v63  }
0x82: {  	s11 =	simm.s32 @!p0 $0xA0;
	s12 =	simm.s32 @!p0 $0x5180  }
0x83: {  	[tilespmem:s12], [sflag:$0x3] =	stream.indirect.gather @!p0 [hbm4b:s2+s7], $0x80, s11, s7, $0xb8;
	[tilespmem:$0xA180] =	vst v63  }
0x84: {  	s13 =	simm.s32 @!p0 $0x7980;
	s14 =	simm.s32 @!p0 $0x1;
	s11 =	simm.s32 @!p0 $0xF0  }
0x85: {  	[tilespmem:s13], [sflag:$0x4] =	stream.indirect.gather @!p0 [hbm4b:s2+s7], $0x80, s11, s7, $0xb8;
	[tilespmem:$0xA180] =	vst v63  }
0x86: {  	_ =	swait.ge @!p0 [sflag:s14], $0x2800  }
0x87: {  	[sflag:s14] =	ssyncset.done @!p0 $0x0  }
0x88: {  	s2 =	simm.s32 @!p0 $0x2;
	[sflag:s14] =	ssyncadd.s32 @!p0 $0xFFFFD800  }
0x89: {  	[hbm4b:s6+s8] =	stream.linear.scatter @!p0 [tilespmem:s9], [sflag:$0x5], $0x2800, $0x38;
	[tilespmem:$0xA180] =	vst v63  }
0x8a: {  	_ =	swait.ge @!p0 [sflag:s2], $0x2800  }
0x8b: {  	[sflag:s2] =	ssyncset.done @!p0 $0x0  }
0x8c: {  	[sflag:s2] =	ssyncadd.s32 @!p0 $0xFFFFD800;
	s2 =	simm.s32 @!p0 $0x3  }
0x8d: {  	[hbm4b:s5+s8] =	stream.linear.scatter @!p0 [tilespmem:s10], [sflag:$0x5], $0x2800, $0x38;
	[tilespmem:$0xA180] =	vst v63  }
0x8e: {  	_ =	swait.ge @!p0 [sflag:s2], $0x2800  }
0x8f: {  	[sflag:s2] =	ssyncset.done @!p0 $0x0  }
0x90: {  	[sflag:s2] =	ssyncadd.s32 @!p0 $0xFFFFD800;
	s2 =	simm.s32 @!p0 $0x4  }
0x91: {  	[hbm4b:s4+s8] =	stream.linear.scatter @!p0 [tilespmem:s12], [sflag:$0x5], $0x2800, $0x38;
	[tilespmem:$0xA180] =	vst v63  }
0x92: {  	_ =	swait.ge @!p0 [sflag:s2], $0x2800  }
0x93: {  	[sflag:s2] =	ssyncset.done @!p0 $0x0  }
0x94: {  	[sflag:s2] =	ssyncadd.s32 @!p0 $0xFFFFD800;
	s2 =	simm.s32 @!p0 $0x5  }
0x95: {  	[hbm4b:s3+s8] =	stream.linear.scatter @!p0 [tilespmem:s13], [sflag:$0x5], $0x2800, $0x38;
	[tilespmem:$0xA180] =	vst v63  }
0x96: {  	_ =	swait.ge @!p0 [sflag:s2], $0x2800  }
0x97: {  	[sflag:s2] =	ssyncset.done @!p0 $0x0  }
0x98: {  	[sflag:s2] =	ssyncadd.s32 @!p0 $0xFFFFD800  }
0x99: {  	_ =	swait.ge @!p0 [sflag:s2], $0x2800  }
0x9a: {  	[sflag:s2] =	ssyncset.done @!p0 $0x0  }
0x9b: {  	[sflag:s2] =	ssyncadd.s32 @!p0 $0xFFFFD800  }
0x9c: {  	_ =	swait.ge @!p0 [sflag:s2], $0x2800  }
0x9d: {  	[sflag:s2] =	ssyncset.done @!p0 $0x0  }
0x9e: {  	[sflag:s2] =	ssyncadd.s32 @!p0 $0xFFFFD800;
	s2 =	simm.s32 @p0 $0x6  }
0x9f: {  	_ =	swait.ge [sflag:s2], $0x2800  }
0xa0: {  	[sflag:s2] =	ssyncset.done $0x0  }
0xa1: {  	[sflag:s2] =	ssyncadd.s32 $0xFFFFD800  }
0xa2: {  	_ =	sfence.sel $0x180000  }
0xa3: {  	[bflag:$0x0] =	sbarrier.arrive $0xFFFF  }
0xa4: {  	p0 =	sne.s32 s0, $0x0;
	_ =	strace $0x90000047  }
0xa5: {  	s0 =	sadd.s32 @!p0 $0x100000, s1;
	[bflag:$0x2] =	sbarrier.arrive $0xFFFF  }
0xa6: {  	[sflag:s0] =	ssyncadd.tile.s32 @!p0 $0x1;
	_ =	shalt  }
.Lfunc_end2:
_tile_overlayer_lowered:
.L_overlay_start_2:
0xa7: {  	(tag) =	ssettag $0x2  }
0xa8: {  	s0 =	rddreg [dreg:$0x0];
	s2 =	stileid.u32  }
0xa9: {  	s1 =	rddreg [dreg:$0x1];
	p0 =	sne.s32 s2, $0x0  }
0xaa: {  	s3 =	rddreg [dreg:$0x2];
	[bflag:$0x3] =	sbarrier.arrive $0xFFFF;
	s2 =	simm.s32 @!p0 $0x1C06  }
0xab: {  	[timem:s3], [sflag:s2] =	dma.local @!p0 [hbm:s0], s1  }
0xac: {  	s0 =	simm.s32 @!p0 $0x6  }
0xad: {  	_ =	swait.ge @!p0 [sflag:s0], s1  }
0xae: {  	s1 =	ssub.s32 @!p0 $0x0, s1;
	[sflag:s0] =	ssyncset.done @!p0 $0x0  }
0xaf: {  	[sflag:s0] =	ssyncadd.s32 @!p0 s1  }
0xb0: {  	[bflag:$0x3] =	sbarrier.arrive $0xFFFF  }
0xb1: {  	_ =	shalt  }

</sc_bundles>
